<compile_context>
chip_gen: v7x
topology: tpu7x:2x2x1
jax: 0.10.2.dev20260603
libtpu: 0.0.44.dev20260713+nightly
codegen_flags: <defaults>
</compile_context>

<pallas_src>
import numpy as np
import jax
import jax.numpy as jnp
from jax import lax
from jax.experimental import pallas as pl
from jax.experimental.pallas import tpu as pltpu
from jax.experimental.pallas import tpu_sc as plsc

NUM_WORDS = 100000
EMB_DIM = 128
NUM_SAMPLES = 8192
BATCH = 16384
TINY = 1e-13
INV_LOG_NW = float(1.0 / np.log(NUM_WORDS + 1))
LOG2E = float(np.log2(np.e))
LN2 = float(np.log(2.0))

BM = 4096

_NC = 2
_NS = 16
_NTILES = _NC * _NS
_TGT_PER = BATCH // _NTILES
_SMP_PER = NUM_SAMPLES // _NTILES


def _sc_gather_body(w_hbm, b_hbm, tgt_hbm, smp_hbm,
                    tw_out, sw_out, tb_out, sb_out,
                    idxt_v, idxs_v, trows_v, srows_v, tbias_v, sbias_v, sem):
    c = lax.axis_index("c")
    s = lax.axis_index("s")
    wid = s * _NC + c
    tbase = wid * _TGT_PER
    sbase = wid * _SMP_PER
    pltpu.sync_copy(tgt_hbm.at[pl.ds(tbase, _TGT_PER)], idxt_v)
    pltpu.sync_copy(smp_hbm.at[pl.ds(sbase, _SMP_PER)], idxs_v)
    cps = [
        pltpu.async_copy(w_hbm.at[idxt_v], trows_v, sem),
        pltpu.async_copy(w_hbm.at[idxs_v], srows_v, sem),
        pltpu.async_copy(b_hbm.at[idxt_v], tbias_v, sem),
        pltpu.async_copy(b_hbm.at[idxs_v], sbias_v, sem),
    ]
    for cp in cps:
        cp.wait()
    pltpu.sync_copy(trows_v, tw_out.at[pl.ds(tbase, _TGT_PER)])
    pltpu.sync_copy(srows_v, sw_out.at[pl.ds(sbase, _SMP_PER)])
    pltpu.sync_copy(tbias_v, tb_out.at[pl.ds(tbase, _TGT_PER)])
    pltpu.sync_copy(sbias_v, sb_out.at[pl.ds(sbase, _SMP_PER)])


def _sc_gather(softmax_w, softmax_b, targets, sampled_ids):
    mesh = plsc.VectorSubcoreMesh(core_axis_name="c", subcore_axis_name="s")
    f = pl.kernel(
        _sc_gather_body,
        out_type=(
            jax.ShapeDtypeStruct((BATCH, EMB_DIM), jnp.float32),
            jax.ShapeDtypeStruct((NUM_SAMPLES, EMB_DIM), jnp.float32),
            jax.ShapeDtypeStruct((BATCH,), jnp.float32),
            jax.ShapeDtypeStruct((NUM_SAMPLES,), jnp.float32),
        ),
        mesh=mesh,
        scratch_types=(
            pltpu.VMEM((_TGT_PER,), jnp.int32),
            pltpu.VMEM((_SMP_PER,), jnp.int32),
            pltpu.VMEM((_TGT_PER, EMB_DIM), jnp.float32),
            pltpu.VMEM((_SMP_PER, EMB_DIM), jnp.float32),
            pltpu.VMEM((_TGT_PER,), jnp.float32),
            pltpu.VMEM((_SMP_PER,), jnp.float32),
            pltpu.SemaphoreType.DMA,
        ),
    )
    return f(softmax_w, softmax_b, targets, sampled_ids)


def _tc_loss_body(nt_ref, emb_ref, tw_ref, sw_ref, tb_ref, sb_ref,
                  tgt_ref, sid_ref, out_ref):
    step = pl.program_id(0)
    nt = nt_ref[0, 0]

    e2 = emb_ref[...] * LOG2E
    t_dot2 = jnp.sum(e2 * tw_ref[...], axis=1, keepdims=True)
    tgtf = tgt_ref[...].astype(jnp.float32)
    tp = jnp.log((tgtf + 2.0) / (tgtf + 1.0)) * INV_LOG_NW
    tec = 1.0 - jnp.exp(nt * jnp.log(1.0 - tp))
    t_logit2 = t_dot2 + tb_ref[...] * LOG2E - jnp.log2(tec + TINY)

    sidf = sid_ref[...].astype(jnp.float32)
    sp = jnp.log((sidf + 2.0) / (sidf + 1.0)) * INV_LOG_NW
    sec = 1.0 - jnp.exp(nt * jnp.log(1.0 - sp))
    adj2 = sb_ref[...] * LOG2E - jnp.log2(sec + TINY)

    logits2 = lax.dot_general(e2, sw_ref[...], (((1,), (1,)), ((), ())),
                              precision=lax.Precision.DEFAULT,
                              preferred_element_type=jnp.float32)
    expl = jnp.exp2(logits2 + adj2)
    expl = jnp.where(sid_ref[...] == tgt_ref[...], 0.0, expl)
    ssum = jnp.sum(expl, axis=1, keepdims=True)
    den = ssum + jnp.exp2(t_logit2)
    partial = jnp.sum(jnp.log2(den) - t_logit2) * LN2

    @pl.when(step == 0)
    def _():
        out_ref[0, 0] = 0.0

    out_ref[0, 0] += partial


def _tc_loss(nt, emb, tw, sw, tb, sb, tgt, sid, interpret=False):
    grid = (BATCH // BM,)
    return pl.pallas_call(
        _tc_loss_body,
        grid=grid,
        in_specs=[
            pl.BlockSpec(memory_space=pltpu.SMEM),
            pl.BlockSpec((BM, EMB_DIM), lambda i: (i, 0)),
            pl.BlockSpec((BM, EMB_DIM), lambda i: (i, 0)),
            pl.BlockSpec((NUM_SAMPLES, EMB_DIM), lambda i: (0, 0)),
            pl.BlockSpec((BM, 1), lambda i: (i, 0)),
            pl.BlockSpec((1, NUM_SAMPLES), lambda i: (0, 0)),
            pl.BlockSpec((BM, 1), lambda i: (i, 0)),
            pl.BlockSpec((1, NUM_SAMPLES), lambda i: (0, 0)),
        ],
        out_specs=pl.BlockSpec(memory_space=pltpu.SMEM),
        out_shape=jax.ShapeDtypeStruct((1, 1), jnp.float32),
        interpret=interpret,
    )(nt, emb, tw, sw, tb, sb, tgt, sid)


def kernel(embeddings, targets, softmax_w, softmax_b, sampled_ids, num_tries):
    tw, sw, tb, sb = _sc_gather(softmax_w, softmax_b, targets, sampled_ids)
    nt = jnp.asarray(num_tries, jnp.float32).reshape(1, 1)
    loss = _tc_loss(
        nt, embeddings, tw, sw,
        tb.reshape(BATCH, 1), sb.reshape(1, NUM_SAMPLES),
        targets.reshape(BATCH, 1), sampled_ids.reshape(1, NUM_SAMPLES),
    )
    return loss[0, 0]

# --- scband reference (transcript-rebuilt; emitter-appended) ---
"""Pipeline reference for scband-sampled-softmax-loss-70179765617329 (READ-ONLY COPY).

The authoritative reference and input builder live on the scoring server;
editing this copy changes nothing except your own understanding.
"""

import jax, jax.numpy as jnp
import numpy as np

NUM_WORDS = 100000
EMB_DIM = 128
NUM_SAMPLES = 8192
BATCH = 16384
TINY = 1e-13


def _choice(num_words, num_samples, rng):
    # Deterministic log-uniform sampling without replacement (insertion-ordered).
    num_tries = 0
    chosen = []
    seen = set()
    while len(chosen) < num_samples:
        log_samples = rng.rand(num_samples) * np.log(num_words + 1)
        buf = np.clip(np.exp(log_samples).astype('int64') - 1, 0, num_words - 1)
        for s in buf:
            num_tries += 1
            si = int(s)
            if si not in seen:
                seen.add(si)
                chosen.append(si)
                if len(chosen) == num_samples:
                    break
    return np.array(chosen, dtype=np.int64), num_tries


def setup_inputs(seed: int = 0) -> dict:
    key = jax.random.key(seed)
    k1, k2 = jax.random.split(key)
    embeddings = jax.random.normal(k1, (BATCH, EMB_DIM), dtype=jnp.float32)
    rng = np.random.RandomState(0)
    targets = jnp.asarray(rng.randint(0, NUM_WORDS, size=BATCH), dtype=jnp.int32)
    softmax_w = jax.random.normal(k2, (NUM_WORDS, EMB_DIM), dtype=jnp.float32) / np.sqrt(EMB_DIM)
    softmax_b = jnp.zeros((NUM_WORDS,), dtype=jnp.float32)
    sampled_np, num_tries = _choice(NUM_WORDS, NUM_SAMPLES, np.random.RandomState(1))
    sampled_ids = jnp.asarray(sampled_np, dtype=jnp.int32)
    return {
        'embeddings': embeddings,
        'targets': targets,
        'softmax_w': softmax_w,
        'softmax_b': softmax_b,
        'sampled_ids': sampled_ids,
        'num_tries': num_tries,
    }


def reference(embeddings, targets, softmax_w, softmax_b, sampled_ids, num_tries):
    batch_size = embeddings.shape[0]
    log_num_words_p1 = np.log(NUM_WORDS + 1)
    nt = jnp.asarray(num_tries).astype(jnp.float32)

    tf = targets.astype(jnp.float32)
    target_probs = jnp.log((tf + 2.0) / (tf + 1.0)) / log_num_words_p1
    target_expected_count = -1.0 * (jnp.exp(nt * jnp.log1p(-target_probs)) - 1.0)

    sf = sampled_ids.astype(jnp.float32)
    sampled_probs = jnp.log((sf + 2.0) / (sf + 1.0)) / log_num_words_p1
    sampled_expected_count = -1.0 * (jnp.exp(nt * jnp.log1p(-sampled_probs)) - 1.0)

    all_ids = jnp.concatenate([targets, sampled_ids], axis=0)
    all_w = jnp.take(softmax_w, all_ids, axis=0)
    all_b = jnp.take(softmax_b, all_ids, axis=0)

    true_w = all_w[:batch_size, :]
    sampled_w = all_w[batch_size:, :]
    true_b = all_b[:batch_size]
    sampled_b = all_b[batch_size:]

    true_logits = (true_w * embeddings).sum(axis=1) + true_b - jnp.log(target_expected_count + TINY)
    sampled_logits = jnp.matmul(embeddings, sampled_w.T) + sampled_b - jnp.log(sampled_expected_count + TINY)

    true_in_sample_mask = sampled_ids[None, :] == targets[:, None]
    masked_sampled_logits = jnp.where(true_in_sample_mask, -10000.0, sampled_logits)

    logits = jnp.concatenate([true_logits[:, None], masked_sampled_logits], axis=1)
    log_softmax = jax.nn.log_softmax(logits, axis=1)
    nll_loss = -1.0 * log_softmax[:, 0].sum()
    return nll_loss

if __name__ == "__main__":
    import jax
    _d = setup_inputs()
    print(jax.jit(kernel)(*tuple(_d.values())))

</pallas_src>

<mosaic_0001>
#map = affine_map<(d0, d1) -> (0, 0)>
#map1 = affine_map<(d0, d1) -> (0)>
module attributes {stable_mosaic.version = 14 : i64} {
  func.func @_sc_gather_body(%arg0: i32, %arg1: i32, %arg2: memref<100000x128xf32, #tpu.memory_space<hbm>>, %arg3: memref<100000xf32, #tpu.memory_space<hbm>>, %arg4: memref<16384xi32, #tpu.memory_space<hbm>>, %arg5: memref<8192xi32, #tpu.memory_space<hbm>>, %arg6: memref<16384x128xf32, #tpu.memory_space<hbm>>, %arg7: memref<8192x128xf32, #tpu.memory_space<hbm>>, %arg8: memref<16384xf32, #tpu.memory_space<hbm>>, %arg9: memref<8192xf32, #tpu.memory_space<hbm>>, %arg10: memref<512xi32, #tpu.memory_space<vmem>>, %arg11: memref<256xi32, #tpu.memory_space<vmem>>, %arg12: memref<512x128xf32, #tpu.memory_space<vmem>>, %arg13: memref<256x128xf32, #tpu.memory_space<vmem>>, %arg14: memref<512xf32, #tpu.memory_space<vmem>>, %arg15: memref<256xf32, #tpu.memory_space<vmem>>, %arg16: memref<!tpu.dma_semaphore, #tpu.memory_space<semaphore_mem>>) attributes {dimension_semantics = [#tpu.dimension_semantics<core_parallel>, #tpu.dimension_semantics<subcore_parallel>], iteration_bounds = array<i64: 2, 16>, scalar_prefetch = 0 : i64, scratch_operands = 7 : i64, tpu.core_type = #tpu.core_type<sc_vector_subcore>, window_params = [{transform_indices = #map}, {transform_indices = #map1}, {transform_indices = #map1}, {transform_indices = #map1}, {transform_indices = #map}, {transform_indices = #map}, {transform_indices = #map1}, {transform_indices = #map1}]} {
    %mul3A = arith.constant 2 : i32
    %mul3A_0 = arith.muli %arg1, %mul3A : i32
    %add3A = arith.addi %mul3A_0, %arg0 : i32
    %mul3A_1 = arith.constant 512 : i32
    %mul3A_2 = arith.muli %add3A, %mul3A_1 : i32
    %mul3A_3 = arith.constant 256 : i32
    %mul3A_4 = arith.muli %add3A, %mul3A_3 : i32
    "tpu.region"() ({
      %run_scoped3A = tpu.sem_alloc : memref<!tpu.dma_semaphore, #tpu.memory_space<semaphore_mem>>
      %dma_start3A_23 = tpu.memref_slice %arg4[%mul3A_2] : memref<16384xi32, #tpu.memory_space<hbm>> -> memref<512xi32, #tpu.memory_space<hbm>>
      %dma_start3A_24 = tpu.memref_slice %arg4[%mul3A_2] : memref<16384xi32, #tpu.memory_space<hbm>> -> memref<512xi32, #tpu.memory_space<hbm>>
      tpu.enqueue_dma source(%dma_start3A_24 : memref<512xi32, #tpu.memory_space<hbm>>) target(%arg10 : memref<512xi32, #tpu.memory_space<vmem>>) target_semaphore(%run_scoped3A : memref<!tpu.dma_semaphore, #tpu.memory_space<semaphore_mem>>)
      %dma_wait3A_25 = tpu.memref_slice %arg4[%mul3A_2] : memref<16384xi32, #tpu.memory_space<hbm>> -> memref<512xi32, #tpu.memory_space<hbm>>
      %dma_wait3A_26 = tpu.memref_slice %arg4[%mul3A_2] : memref<16384xi32, #tpu.memory_space<hbm>> -> memref<512xi32, #tpu.memory_space<hbm>>
      tpu.wait_dma2 semaphore(%run_scoped3A : memref<!tpu.dma_semaphore, #tpu.memory_space<semaphore_mem>>) src(%dma_wait3A_26 : memref<512xi32, #tpu.memory_space<hbm>>) dst(%arg10 : memref<512xi32, #tpu.memory_space<vmem>>)
      tpu.yield
    }) : () -> ()
    "tpu.region"() ({
      %run_scoped3A = tpu.sem_alloc : memref<!tpu.dma_semaphore, #tpu.memory_space<semaphore_mem>>
      %dma_start3A_23 = tpu.memref_slice %arg5[%mul3A_4] : memref<8192xi32, #tpu.memory_space<hbm>> -> memref<256xi32, #tpu.memory_space<hbm>>
      %dma_start3A_24 = tpu.memref_slice %arg5[%mul3A_4] : memref<8192xi32, #tpu.memory_space<hbm>> -> memref<256xi32, #tpu.memory_space<hbm>>
      tpu.enqueue_dma source(%dma_start3A_24 : memref<256xi32, #tpu.memory_space<hbm>>) target(%arg11 : memref<256xi32, #tpu.memory_space<vmem>>) target_semaphore(%run_scoped3A : memref<!tpu.dma_semaphore, #tpu.memory_space<semaphore_mem>>)
      %dma_wait3A_25 = tpu.memref_slice %arg5[%mul3A_4] : memref<8192xi32, #tpu.memory_space<hbm>> -> memref<256xi32, #tpu.memory_space<hbm>>
      %dma_wait3A_26 = tpu.memref_slice %arg5[%mul3A_4] : memref<8192xi32, #tpu.memory_space<hbm>> -> memref<256xi32, #tpu.memory_space<hbm>>
      tpu.wait_dma2 semaphore(%run_scoped3A : memref<!tpu.dma_semaphore, #tpu.memory_space<semaphore_mem>>) src(%dma_wait3A_26 : memref<256xi32, #tpu.memory_space<hbm>>) dst(%arg11 : memref<256xi32, #tpu.memory_space<vmem>>)
      tpu.yield
    }) : () -> ()
    %dma_start3A = arith.constant 0 : i32
    %dma_start3A_5 = arith.constant 0 : i32
    %dma_start3A_6 = tpu.memref_slice %arg2[%dma_start3A, %dma_start3A_5] : memref<100000x128xf32, #tpu.memory_space<hbm>> -> memref<100000x128xf32, #tpu.memory_space<hbm>>
    tpu.enqueue_indirect_dma source(%dma_start3A_6 : memref<100000x128xf32, #tpu.memory_space<hbm>>) target(%arg12 : memref<512x128xf32, #tpu.memory_space<vmem>>) offsets(%arg10 : memref<512xi32, #tpu.memory_space<vmem>>) semaphore(%arg16 : memref<!tpu.dma_semaphore, #tpu.memory_space<semaphore_mem>>)
    %dma_start3A_7 = arith.constant 0 : i32
    %dma_start3A_8 = arith.constant 0 : i32
    %dma_start3A_9 = tpu.memref_slice %arg2[%dma_start3A_7, %dma_start3A_8] : memref<100000x128xf32, #tpu.memory_space<hbm>> -> memref<100000x128xf32, #tpu.memory_space<hbm>>
    tpu.enqueue_indirect_dma source(%dma_start3A_9 : memref<100000x128xf32, #tpu.memory_space<hbm>>) target(%arg13 : memref<256x128xf32, #tpu.memory_space<vmem>>) offsets(%arg11 : memref<256xi32, #tpu.memory_space<vmem>>) semaphore(%arg16 : memref<!tpu.dma_semaphore, #tpu.memory_space<semaphore_mem>>)
    %dma_start3A_10 = arith.constant 0 : i32
    %dma_start3A_11 = tpu.memref_slice %arg3[%dma_start3A_10] : memref<100000xf32, #tpu.memory_space<hbm>> -> memref<100000xf32, #tpu.memory_space<hbm>>
    tpu.enqueue_indirect_dma source(%dma_start3A_11 : memref<100000xf32, #tpu.memory_space<hbm>>) target(%arg14 : memref<512xf32, #tpu.memory_space<vmem>>) offsets(%arg10 : memref<512xi32, #tpu.memory_space<vmem>>) semaphore(%arg16 : memref<!tpu.dma_semaphore, #tpu.memory_space<semaphore_mem>>)
    %dma_start3A_12 = arith.constant 0 : i32
    %dma_start3A_13 = tpu.memref_slice %arg3[%dma_start3A_12] : memref<100000xf32, #tpu.memory_space<hbm>> -> memref<100000xf32, #tpu.memory_space<hbm>>
    tpu.enqueue_indirect_dma source(%dma_start3A_13 : memref<100000xf32, #tpu.memory_space<hbm>>) target(%arg15 : memref<256xf32, #tpu.memory_space<vmem>>) offsets(%arg11 : memref<256xi32, #tpu.memory_space<vmem>>) semaphore(%arg16 : memref<!tpu.dma_semaphore, #tpu.memory_space<semaphore_mem>>)
    %dma_wait3A = arith.constant 0 : i32
    %dma_wait3A_14 = arith.constant 0 : i32
    %dma_wait3A_15 = tpu.memref_slice %arg2[%dma_wait3A, %dma_wait3A_14] : memref<100000x128xf32, #tpu.memory_space<hbm>> -> memref<100000x128xf32, #tpu.memory_space<hbm>>
    tpu.wait_indirect_dma semaphore(%arg16 : memref<!tpu.dma_semaphore, #tpu.memory_space<semaphore_mem>>) src(%dma_wait3A_15 : memref<100000x128xf32, #tpu.memory_space<hbm>>) dst(%arg12 : memref<512x128xf32, #tpu.memory_space<vmem>>)
    %dma_wait3A_16 = arith.constant 0 : i32
    %dma_wait3A_17 = arith.constant 0 : i32
    %dma_wait3A_18 = tpu.memref_slice %arg2[%dma_wait3A_16, %dma_wait3A_17] : memref<100000x128xf32, #tpu.memory_space<hbm>> -> memref<100000x128xf32, #tpu.memory_space<hbm>>
    tpu.wait_indirect_dma semaphore(%arg16 : memref<!tpu.dma_semaphore, #tpu.memory_space<semaphore_mem>>) src(%dma_wait3A_18 : memref<100000x128xf32, #tpu.memory_space<hbm>>) dst(%arg13 : memref<256x128xf32, #tpu.memory_space<vmem>>)
    %dma_wait3A_19 = arith.constant 0 : i32
    %dma_wait3A_20 = tpu.memref_slice %arg3[%dma_wait3A_19] : memref<100000xf32, #tpu.memory_space<hbm>> -> memref<100000xf32, #tpu.memory_space<hbm>>
    tpu.wait_indirect_dma semaphore(%arg16 : memref<!tpu.dma_semaphore, #tpu.memory_space<semaphore_mem>>) src(%dma_wait3A_20 : memref<100000xf32, #tpu.memory_space<hbm>>) dst(%arg14 : memref<512xf32, #tpu.memory_space<vmem>>)
    %dma_wait3A_21 = arith.constant 0 : i32
    %dma_wait3A_22 = tpu.memref_slice %arg3[%dma_wait3A_21] : memref<100000xf32, #tpu.memory_space<hbm>> -> memref<100000xf32, #tpu.memory_space<hbm>>
    tpu.wait_indirect_dma semaphore(%arg16 : memref<!tpu.dma_semaphore, #tpu.memory_space<semaphore_mem>>) src(%dma_wait3A_22 : memref<100000xf32, #tpu.memory_space<hbm>>) dst(%arg15 : memref<256xf32, #tpu.memory_space<vmem>>)
    "tpu.region"() ({
      %run_scoped3A = tpu.sem_alloc : memref<!tpu.dma_semaphore, #tpu.memory_space<semaphore_mem>>
      %dma_start3A_23 = arith.constant 0 : i32
      %dma_start3A_24 = tpu.memref_slice %arg6[%mul3A_2, %dma_start3A_23] : memref<16384x128xf32, #tpu.memory_space<hbm>> -> memref<512x128xf32, #tpu.memory_space<hbm>>
      %dma_start3A_25 = arith.constant 0 : i32
      %dma_start3A_26 = tpu.memref_slice %arg6[%mul3A_2, %dma_start3A_25] : memref<16384x128xf32, #tpu.memory_space<hbm>> -> memref<512x128xf32, #tpu.memory_space<hbm>>
      tpu.enqueue_dma source(%arg12 : memref<512x128xf32, #tpu.memory_space<vmem>>) target(%dma_start3A_26 : memref<512x128xf32, #tpu.memory_space<hbm>>) target_semaphore(%run_scoped3A : memref<!tpu.dma_semaphore, #tpu.memory_space<semaphore_mem>>)
      %dma_wait3A_27 = arith.constant 0 : i32
      %dma_wait3A_28 = tpu.memref_slice %arg6[%mul3A_2, %dma_wait3A_27] : memref<16384x128xf32, #tpu.memory_space<hbm>> -> memref<512x128xf32, #tpu.memory_space<hbm>>
      %dma_wait3A_29 = arith.constant 0 : i32
      %dma_wait3A_30 = tpu.memref_slice %arg6[%mul3A_2, %dma_wait3A_29] : memref<16384x128xf32, #tpu.memory_space<hbm>> -> memref<512x128xf32, #tpu.memory_space<hbm>>
      tpu.wait_dma2 semaphore(%run_scoped3A : memref<!tpu.dma_semaphore, #tpu.memory_space<semaphore_mem>>) src(%arg12 : memref<512x128xf32, #tpu.memory_space<vmem>>) dst(%dma_wait3A_30 : memref<512x128xf32, #tpu.memory_space<hbm>>)
      tpu.yield
    }) : () -> ()
    "tpu.region"() ({
      %run_scoped3A = tpu.sem_alloc : memref<!tpu.dma_semaphore, #tpu.memory_space<semaphore_mem>>
      %dma_start3A_23 = arith.constant 0 : i32
      %dma_start3A_24 = tpu.memref_slice %arg7[%mul3A_4, %dma_start3A_23] : memref<8192x128xf32, #tpu.memory_space<hbm>> -> memref<256x128xf32, #tpu.memory_space<hbm>>
      %dma_start3A_25 = arith.constant 0 : i32
      %dma_start3A_26 = tpu.memref_slice %arg7[%mul3A_4, %dma_start3A_25] : memref<8192x128xf32, #tpu.memory_space<hbm>> -> memref<256x128xf32, #tpu.memory_space<hbm>>
      tpu.enqueue_dma source(%arg13 : memref<256x128xf32, #tpu.memory_space<vmem>>) target(%dma_start3A_26 : memref<256x128xf32, #tpu.memory_space<hbm>>) target_semaphore(%run_scoped3A : memref<!tpu.dma_semaphore, #tpu.memory_space<semaphore_mem>>)
      %dma_wait3A_27 = arith.constant 0 : i32
      %dma_wait3A_28 = tpu.memref_slice %arg7[%mul3A_4, %dma_wait3A_27] : memref<8192x128xf32, #tpu.memory_space<hbm>> -> memref<256x128xf32, #tpu.memory_space<hbm>>
      %dma_wait3A_29 = arith.constant 0 : i32
      %dma_wait3A_30 = tpu.memref_slice %arg7[%mul3A_4, %dma_wait3A_29] : memref<8192x128xf32, #tpu.memory_space<hbm>> -> memref<256x128xf32, #tpu.memory_space<hbm>>
      tpu.wait_dma2 semaphore(%run_scoped3A : memref<!tpu.dma_semaphore, #tpu.memory_space<semaphore_mem>>) src(%arg13 : memref<256x128xf32, #tpu.memory_space<vmem>>) dst(%dma_wait3A_30 : memref<256x128xf32, #tpu.memory_space<hbm>>)
      tpu.yield
    }) : () -> ()
    "tpu.region"() ({
      %run_scoped3A = tpu.sem_alloc : memref<!tpu.dma_semaphore, #tpu.memory_space<semaphore_mem>>
      %dma_start3A_23 = tpu.memref_slice %arg8[%mul3A_2] : memref<16384xf32, #tpu.memory_space<hbm>> -> memref<512xf32, #tpu.memory_space<hbm>>
      %dma_start3A_24 = tpu.memref_slice %arg8[%mul3A_2] : memref<16384xf32, #tpu.memory_space<hbm>> -> memref<512xf32, #tpu.memory_space<hbm>>
      tpu.enqueue_dma source(%arg14 : memref<512xf32, #tpu.memory_space<vmem>>) target(%dma_start3A_24 : memref<512xf32, #tpu.memory_space<hbm>>) target_semaphore(%run_scoped3A : memref<!tpu.dma_semaphore, #tpu.memory_space<semaphore_mem>>)
      %dma_wait3A_25 = tpu.memref_slice %arg8[%mul3A_2] : memref<16384xf32, #tpu.memory_space<hbm>> -> memref<512xf32, #tpu.memory_space<hbm>>
      %dma_wait3A_26 = tpu.memref_slice %arg8[%mul3A_2] : memref<16384xf32, #tpu.memory_space<hbm>> -> memref<512xf32, #tpu.memory_space<hbm>>
      tpu.wait_dma2 semaphore(%run_scoped3A : memref<!tpu.dma_semaphore, #tpu.memory_space<semaphore_mem>>) src(%arg14 : memref<512xf32, #tpu.memory_space<vmem>>) dst(%dma_wait3A_26 : memref<512xf32, #tpu.memory_space<hbm>>)
      tpu.yield
    }) : () -> ()
    "tpu.region"() ({
      %run_scoped3A = tpu.sem_alloc : memref<!tpu.dma_semaphore, #tpu.memory_space<semaphore_mem>>
      %dma_start3A_23 = tpu.memref_slice %arg9[%mul3A_4] : memref<8192xf32, #tpu.memory_space<hbm>> -> memref<256xf32, #tpu.memory_space<hbm>>
      %dma_start3A_24 = tpu.memref_slice %arg9[%mul3A_4] : memref<8192xf32, #tpu.memory_space<hbm>> -> memref<256xf32, #tpu.memory_space<hbm>>
      tpu.enqueue_dma source(%arg15 : memref<256xf32, #tpu.memory_space<vmem>>) target(%dma_start3A_24 : memref<256xf32, #tpu.memory_space<hbm>>) target_semaphore(%run_scoped3A : memref<!tpu.dma_semaphore, #tpu.memory_space<semaphore_mem>>)
      %dma_wait3A_25 = tpu.memref_slice %arg9[%mul3A_4] : memref<8192xf32, #tpu.memory_space<hbm>> -> memref<256xf32, #tpu.memory_space<hbm>>
      %dma_wait3A_26 = tpu.memref_slice %arg9[%mul3A_4] : memref<8192xf32, #tpu.memory_space<hbm>> -> memref<256xf32, #tpu.memory_space<hbm>>
      tpu.wait_dma2 semaphore(%run_scoped3A : memref<!tpu.dma_semaphore, #tpu.memory_space<semaphore_mem>>) src(%arg15 : memref<256xf32, #tpu.memory_space<vmem>>) dst(%dma_wait3A_26 : memref<256xf32, #tpu.memory_space<hbm>>)
      tpu.yield
    }) : () -> ()
    return
  }
}

module attributes {stable_mosaic.version = 14 : i64} {
  func.func @_tc_loss_body(%arg0: i32, %arg1: memref<1x1xf32, #tpu.memory_space<smem>>, %arg2: memref<4096x128xf32, #tpu.memory_space<vmem>>, %arg3: memref<4096x128xf32, #tpu.memory_space<vmem>>, %arg4: memref<8192x128xf32, #tpu.memory_space<vmem>>, %arg5: memref<4096x1xf32, #tpu.memory_space<vmem>>, %arg6: memref<1x8192xf32, #tpu.memory_space<vmem>>, %arg7: memref<4096x1xi32, #tpu.memory_space<vmem>>, %arg8: memref<1x8192xi32, #tpu.memory_space<vmem>>, %arg9: memref<1x1xf32, #tpu.memory_space<smem>>) attributes {dimension_semantics = [#tpu.dimension_semantics<arbitrary>], iteration_bounds = array<i64: 4>, scalar_prefetch = 0 : i64, scratch_operands = 0 : i64, tpu.core_type = #tpu.core_type<tc>, window_params = [{transform_indices = @transform_0, window_bounds = array<i64: 1, 1>}, {transform_indices = @transform_1, window_bounds = array<i64: 4096, 128>}, {transform_indices = @transform_2, window_bounds = array<i64: 4096, 128>}, {pipeline_mode = #tpu.pipeline_mode<synchronous>, transform_indices = @transform_3, window_bounds = array<i64: 8192, 128>}, {transform_indices = @transform_4, window_bounds = array<i64: 4096, 1>}, {pipeline_mode = #tpu.pipeline_mode<synchronous>, transform_indices = @transform_5, window_bounds = array<i64: 1, 8192>}, {transform_indices = @transform_6, window_bounds = array<i64: 4096, 1>}, {pipeline_mode = #tpu.pipeline_mode<synchronous>, transform_indices = @transform_7, window_bounds = array<i64: 1, 8192>}, {transform_indices = @transform_8, window_bounds = array<i64: 1, 1>}]} {
    %get3A = arith.constant 0 : index
    %get3A_0 = arith.constant 0 : index
    %get3A_1 = memref.load %arg1[%get3A, %get3A_0] : memref<1x1xf32, #tpu.memory_space<smem>>
    %get3A_2 = arith.constant 0 : index
    %get3A_3 = arith.constant 0 : index
    %get3A_4 = vector.load %arg2[%get3A_2, %get3A_3] : memref<4096x128xf32, #tpu.memory_space<vmem>>, vector<4096x128xf32>
    %mul3A = arith.constant 1.44269502 : f32
    %mul3A_5 = vector.broadcast %mul3A : f32 to vector<4096x128xf32>
    %mul3A_6 = arith.mulf %get3A_4, %mul3A_5 : vector<4096x128xf32>
    %get3A_7 = arith.constant 0 : index
    %get3A_8 = arith.constant 0 : index
    %get3A_9 = vector.load %arg3[%get3A_7, %get3A_8] : memref<4096x128xf32, #tpu.memory_space<vmem>>, vector<4096x128xf32>
    %mul3A_10 = arith.mulf %mul3A_6, %get3A_9 : vector<4096x128xf32>
    %reduce_sum3A = arith.constant dense<0.000000e+00> : vector<4096xf32>
    %reduce_sum3A_11 = vector.multi_reduction <add>, %mul3A_10, %reduce_sum3A [1] : vector<4096x128xf32> to vector<4096xf32>
    %broadcast_in_dim3A = vector.shape_cast %reduce_sum3A_11 : vector<4096xf32> to vector<4096x1xf32>
    %get3A_12 = arith.constant 0 : index
    %get3A_13 = arith.constant 0 : index
    %get3A_14 = vector.load %arg7[%get3A_12, %get3A_13] : memref<4096x1xi32, #tpu.memory_space<vmem>>, vector<4096x1xi32>
    %convert_element_type3A = arith.sitofp %get3A_14 : vector<4096x1xi32> to vector<4096x1xf32>
    %add3A = arith.constant 2.000000e+00 : f32
    %add3A_15 = vector.broadcast %add3A : f32 to vector<4096x1xf32>
    %add3A_16 = arith.addf %convert_element_type3A, %add3A_15 : vector<4096x1xf32>
    %add3A_17 = arith.constant 1.000000e+00 : f32
    %add3A_18 = vector.broadcast %add3A_17 : f32 to vector<4096x1xf32>
    %add3A_19 = arith.addf %convert_element_type3A, %add3A_18 : vector<4096x1xf32>
    %div3A = arith.divf %add3A_16, %add3A_19 : vector<4096x1xf32>
    %log3A = math.log %div3A : vector<4096x1xf32>
    %mul3A_20 = arith.constant 0.0868588239 : f32
    %mul3A_21 = vector.broadcast %mul3A_20 : f32 to vector<4096x1xf32>
    %mul3A_22 = arith.mulf %log3A, %mul3A_21 : vector<4096x1xf32>
    %sub3A = arith.constant 1.000000e+00 : f32
    %sub3A_23 = vector.broadcast %sub3A : f32 to vector<4096x1xf32>
    %sub3A_24 = arith.subf %sub3A_23, %mul3A_22 : vector<4096x1xf32>
    %log3A_25 = math.log %sub3A_24 : vector<4096x1xf32>
    %mul3A_26 = vector.broadcast %get3A_1 : f32 to vector<4096x1xf32>
    %mul3A_27 = arith.mulf %mul3A_26, %log3A_25 : vector<4096x1xf32>
    %exp3A = math.exp %mul3A_27 : vector<4096x1xf32>
    %sub3A_28 = arith.constant 1.000000e+00 : f32
    %sub3A_29 = vector.broadcast %sub3A_28 : f32 to vector<4096x1xf32>
    %sub3A_30 = arith.subf %sub3A_29, %exp3A : vector<4096x1xf32>
    %get3A_31 = arith.constant 0 : index
    %get3A_32 = arith.constant 0 : index
    %get3A_33 = vector.load %arg5[%get3A_31, %get3A_32] : memref<4096x1xf32, #tpu.memory_space<vmem>>, vector<4096x1xf32>
    %mul3A_34 = arith.constant 1.44269502 : f32
    %mul3A_35 = vector.broadcast %mul3A_34 : f32 to vector<4096x1xf32>
    %mul3A_36 = arith.mulf %get3A_33, %mul3A_35 : vector<4096x1xf32>
    %add3A_37 = arith.addf %broadcast_in_dim3A, %mul3A_36 : vector<4096x1xf32>
    %add3A_38 = arith.constant 9.99999982E-14 : f32
    %add3A_39 = vector.broadcast %add3A_38 : f32 to vector<4096x1xf32>
    %add3A_40 = arith.addf %sub3A_30, %add3A_39 : vector<4096x1xf32>
    %log3A_41 = math.log %add3A_40 : vector<4096x1xf32>
    %log3A_42 = arith.constant 2.000000e+00 : f32
    %log3A_43 = math.log %log3A_42 : f32
    %div3A_44 = vector.broadcast %log3A_43 : f32 to vector<4096x1xf32>
    %div3A_45 = arith.divf %log3A_41, %div3A_44 : vector<4096x1xf32>
    %sub3A_46 = arith.subf %add3A_37, %div3A_45 : vector<4096x1xf32>
    %get3A_47 = arith.constant 0 : index
    %get3A_48 = arith.constant 0 : index
    %get3A_49 = vector.load %arg8[%get3A_47, %get3A_48] : memref<1x8192xi32, #tpu.memory_space<vmem>>, vector<1x8192xi32>
    %convert_element_type3A_50 = arith.sitofp %get3A_49 : vector<1x8192xi32> to vector<1x8192xf32>
    %add3A_51 = arith.constant 2.000000e+00 : f32
    %add3A_52 = vector.broadcast %add3A_51 : f32 to vector<1x8192xf32>
    %add3A_53 = arith.addf %convert_element_type3A_50, %add3A_52 : vector<1x8192xf32>
    %add3A_54 = arith.constant 1.000000e+00 : f32
    %add3A_55 = vector.broadcast %add3A_54 : f32 to vector<1x8192xf32>
    %add3A_56 = arith.addf %convert_element_type3A_50, %add3A_55 : vector<1x8192xf32>
    %div3A_57 = arith.divf %add3A_53, %add3A_56 : vector<1x8192xf32>
    %log3A_58 = math.log %div3A_57 : vector<1x8192xf32>
    %mul3A_59 = arith.constant 0.0868588239 : f32
    %mul3A_60 = vector.broadcast %mul3A_59 : f32 to vector<1x8192xf32>
    %mul3A_61 = arith.mulf %log3A_58, %mul3A_60 : vector<1x8192xf32>
    %sub3A_62 = arith.constant 1.000000e+00 : f32
    %sub3A_63 = vector.broadcast %sub3A_62 : f32 to vector<1x8192xf32>
    %sub3A_64 = arith.subf %sub3A_63, %mul3A_61 : vector<1x8192xf32>
    %log3A_65 = math.log %sub3A_64 : vector<1x8192xf32>
    %mul3A_66 = vector.broadcast %get3A_1 : f32 to vector<1x8192xf32>
    %mul3A_67 = arith.mulf %mul3A_66, %log3A_65 : vector<1x8192xf32>
    %exp3A_68 = math.exp %mul3A_67 : vector<1x8192xf32>
    %sub3A_69 = arith.constant 1.000000e+00 : f32
    %sub3A_70 = vector.broadcast %sub3A_69 : f32 to vector<1x8192xf32>
    %sub3A_71 = arith.subf %sub3A_70, %exp3A_68 : vector<1x8192xf32>
    %get3A_72 = arith.constant 0 : index
    %get3A_73 = arith.constant 0 : index
    %get3A_74 = vector.load %arg6[%get3A_72, %get3A_73] : memref<1x8192xf32, #tpu.memory_space<vmem>>, vector<1x8192xf32>
    %mul3A_75 = arith.constant 1.44269502 : f32
    %mul3A_76 = vector.broadcast %mul3A_75 : f32 to vector<1x8192xf32>
    %mul3A_77 = arith.mulf %get3A_74, %mul3A_76 : vector<1x8192xf32>
    %add3A_78 = arith.constant 9.99999982E-14 : f32
    %add3A_79 = vector.broadcast %add3A_78 : f32 to vector<1x8192xf32>
    %add3A_80 = arith.addf %sub3A_71, %add3A_79 : vector<1x8192xf32>
    %log3A_81 = math.log %add3A_80 : vector<1x8192xf32>
    %log3A_82 = arith.constant 2.000000e+00 : f32
    %log3A_83 = math.log %log3A_82 : f32
    %div3A_84 = vector.broadcast %log3A_83 : f32 to vector<1x8192xf32>
    %div3A_85 = arith.divf %log3A_81, %div3A_84 : vector<1x8192xf32>
    %sub3A_86 = arith.subf %mul3A_77, %div3A_85 : vector<1x8192xf32>
    %get3A_87 = arith.constant 0 : index
    %get3A_88 = arith.constant 0 : index
    %get3A_89 = vector.load %arg4[%get3A_87, %get3A_88] : memref<8192x128xf32, #tpu.memory_space<vmem>>, vector<8192x128xf32>
    %dot_general3A = arith.constant dense<0.000000e+00> : vector<4096x8192xf32>
    %dot_general3A_90 = tpu.matmul %mul3A_6, %get3A_89, %dot_general3A {dimension_numbers = #tpu.dot_dimension_numbers<[1], [1], [0], [0], [0, 0, 1, 0], [], []>, transpose_lhs_hint = false} : vector<4096x128xf32>, vector<8192x128xf32>, vector<4096x8192xf32> -> vector<4096x8192xf32>
    %add3A_91 = vector.broadcast %sub3A_86 : vector<1x8192xf32> to vector<4096x8192xf32>
    %add3A_92 = arith.addf %dot_general3A_90, %add3A_91 : vector<4096x8192xf32>
    %exp23A = math.exp2 %add3A_92 : vector<4096x8192xf32>
    %get3A_93 = arith.constant 0 : index
    %get3A_94 = arith.constant 0 : index
    %get3A_95 = vector.load %arg8[%get3A_93, %get3A_94] : memref<1x8192xi32, #tpu.memory_space<vmem>>, vector<1x8192xi32>
    %get3A_96 = arith.constant 0 : index
    %get3A_97 = arith.constant 0 : index
    %get3A_98 = vector.load %arg7[%get3A_96, %get3A_97] : memref<4096x1xi32, #tpu.memory_space<vmem>>, vector<4096x1xi32>
    %eq3A = vector.broadcast %get3A_95 : vector<1x8192xi32> to vector<4096x8192xi32>
    %eq3A_99 = vector.broadcast %get3A_98 : vector<4096x1xi32> to vector<4096x8192xi32>
    %eq3A_100 = arith.cmpi eq, %eq3A, %eq3A_99 : vector<4096x8192xi32>
    %jit3A = arith.constant 0.000000e+00 : f32
    %broadcast_in_dim3A_101 = vector.broadcast %jit3A : f32 to vector<4096x8192xf32>
    %select_n3A = arith.select %eq3A_100, %broadcast_in_dim3A_101, %exp23A : vector<4096x8192xi1>, vector<4096x8192xf32>
    %reduce_sum3A_102 = arith.constant dense<0.000000e+00> : vector<4096xf32>
    %reduce_sum3A_103 = vector.multi_reduction <add>, %select_n3A, %reduce_sum3A_102 [1] : vector<4096x8192xf32> to vector<4096xf32>
    %broadcast_in_dim3A_104 = vector.shape_cast %reduce_sum3A_103 : vector<4096xf32> to vector<4096x1xf32>
    %exp23A_105 = math.exp2 %sub3A_46 : vector<4096x1xf32>
    %add3A_106 = arith.addf %broadcast_in_dim3A_104, %exp23A_105 : vector<4096x1xf32>
    %log3A_107 = math.log %add3A_106 : vector<4096x1xf32>
    %log3A_108 = arith.constant 2.000000e+00 : f32
    %log3A_109 = math.log %log3A_108 : f32
    %div3A_110 = vector.broadcast %log3A_109 : f32 to vector<4096x1xf32>
    %div3A_111 = arith.divf %log3A_107, %div3A_110 : vector<4096x1xf32>
    %sub3A_112 = arith.subf %div3A_111, %sub3A_46 : vector<4096x1xf32>
    %reduce_sum3A_113 = vector.shape_cast %sub3A_112 : vector<4096x1xf32> to vector<1x4096x1xf32>
    %reduce_sum3A_114 = arith.constant dense<0.000000e+00> : vector<1xf32>
    %reduce_sum3A_115 = vector.multi_reduction <add>, %reduce_sum3A_113, %reduce_sum3A_114 [1, 2] : vector<1x4096x1xf32> to vector<1xf32>
    %reduce_sum3A_116 = vector.shape_cast %reduce_sum3A_115 : vector<1xf32> to vector<1x1x1xf32>
    %reduce_sum3A_117 = vector.extract %reduce_sum3A_116[0, 0, 0] : f32 from vector<1x1x1xf32>
    %mul3A_118 = arith.constant 0.693147182 : f32
    %mul3A_119 = arith.mulf %reduce_sum3A_117, %mul3A_118 : f32
    %eq3A_120 = arith.constant 0 : i32
    %eq3A_121 = arith.cmpi eq, %arg0, %eq3A_120 : i32
    %convert_element_type3A_122 = arith.extui %eq3A_121 : i1 to i32
    %cond3A = arith.constant 0 : i32
    %cond3A_123 = arith.cmpi ne, %convert_element_type3A_122, %cond3A : i32
    scf.if %cond3A_123 {
      %swap3A_130 = arith.constant 0.000000e+00 : f32
      %swap3A_131 = arith.constant 0 : index
      %swap3A_132 = arith.constant 0 : index
      %swap3A_133 = memref.load %arg9[%swap3A_131, %swap3A_132] : memref<1x1xf32, #tpu.memory_space<smem>>
      memref.store %swap3A_130, %arg9[%swap3A_131, %swap3A_132] : memref<1x1xf32, #tpu.memory_space<smem>>
    } else {
    }
    %get3A_124 = arith.constant 0 : index
    %get3A_125 = arith.constant 0 : index
    %get3A_126 = memref.load %arg9[%get3A_124, %get3A_125] : memref<1x1xf32, #tpu.memory_space<smem>>
    %add3A_127 = arith.addf %get3A_126, %mul3A_119 : f32
    %swap3A = arith.constant 0 : index
    %swap3A_128 = arith.constant 0 : index
    %swap3A_129 = memref.load %arg9[%swap3A, %swap3A_128] : memref<1x1xf32, #tpu.memory_space<smem>>
    memref.store %add3A_127, %arg9[%swap3A, %swap3A_128] : memref<1x1xf32, #tpu.memory_space<smem>>
    return
  }
  func.func @transform_0(%arg0: i32) -> (i32, i32) {
    %c0_i32 = arith.constant 0 : i32
    %c0_i32_0 = arith.constant 0 : i32
    %c0_i32_1 = arith.constant 0 : i32
    return %c0_i32, %c0_i32_0 : i32, i32
  }
  func.func @transform_1(%arg0: i32) -> (i32, i32) {
    %c0_i32 = arith.constant 0 : i32
    %c0_i32_0 = arith.constant 0 : i32
    return %arg0, %c0_i32 : i32, i32
  }
  func.func @transform_2(%arg0: i32) -> (i32, i32) {
    %c0_i32 = arith.constant 0 : i32
    %c0_i32_0 = arith.constant 0 : i32
    return %arg0, %c0_i32 : i32, i32
  }
  func.func @transform_3(%arg0: i32) -> (i32, i32) {
    %c0_i32 = arith.constant 0 : i32
    %c0_i32_0 = arith.constant 0 : i32
    %c0_i32_1 = arith.constant 0 : i32
    return %c0_i32, %c0_i32_0 : i32, i32
  }
  func.func @transform_4(%arg0: i32) -> (i32, i32) {
    %c0_i32 = arith.constant 0 : i32
    %c0_i32_0 = arith.constant 0 : i32
    return %arg0, %c0_i32 : i32, i32
  }
  func.func @transform_5(%arg0: i32) -> (i32, i32) {
    %c0_i32 = arith.constant 0 : i32
    %c0_i32_0 = arith.constant 0 : i32
    %c0_i32_1 = arith.constant 0 : i32
    return %c0_i32, %c0_i32_0 : i32, i32
  }
  func.func @transform_6(%arg0: i32) -> (i32, i32) {
    %c0_i32 = arith.constant 0 : i32
    %c0_i32_0 = arith.constant 0 : i32
    return %arg0, %c0_i32 : i32, i32
  }
  func.func @transform_7(%arg0: i32) -> (i32, i32) {
    %c0_i32 = arith.constant 0 : i32
    %c0_i32_0 = arith.constant 0 : i32
    %c0_i32_1 = arith.constant 0 : i32
    return %c0_i32, %c0_i32_0 : i32, i32
  }
  func.func @transform_8(%arg0: i32) -> (i32, i32) {
    %c0_i32 = arith.constant 0 : i32
    %c0_i32_0 = arith.constant 0 : i32
    %c0_i32_1 = arith.constant 0 : i32
    return %c0_i32, %c0_i32_0 : i32, i32
  }
}

</mosaic_0001>

<sc_bundles>
// kernel: kernel.4.cloned.1.call-start
scs
__scs_entry_jumppad:
0x0: {  	(pc) =	sbr.rel $0x88, $3  }
0x1: {  	(tag) =	ssettag $0x0;
	lr =	simm.s32 $0x1  }
0x2: {  	[smem:$0x3F9B] =	sst lr;
	_ =	strace $0xD0000000  }
0x3: {  	_ = 	snop  }
0x4: {  	_ = 	snop  }
0x5: {  	_ = 	snop  }
0x6: {  	_ = 	snop  }
0x7: {  	_ = 	snop  }
__scs_overlays_trampoline_lowered:
0x8: {  	[smem:$0x3FAA] =	sst s0  }
0x9: {  	[smem:$0x3FAB] =	sst s1  }
0xa: {  	[smem:$0x3FAC] =	sst s2  }
0xb: {  	[smem:$0x3FAD] =	sst s3  }
0xc: {  	[smem:$0x3FAE] =	sst s4  }
0xd: {  	[smem:$0x3FAF] =	sst s5  }
0xe: {  	[smem:$0x3FB0] =	sst s6  }
0xf: {  	[smem:$0x3FB1] =	sst s7  }
0x10: {  	[smem:$0x3FB2] =	sst s8  }
0x11: {  	[smem:$0x3FB3] =	sst s9;
	s0 =	simm.s32 @!p0 $0x0  }
0x12: {  	s1 =	sld [smem:$0x3F99];
	s0 =	simm.s32 @p0 $0x1  }
0x13: {  	[smem:$0x3FB4] =	sst s0;
	s0 =	simm.s32 @!p1 $0x0  }
0x14: {  	s2 =	sld [smem:$0x3F98];
	s0 =	simm.s32 @p1 $0x1  }
0x15: {  	[smem:$0x3FB5] =	sst s0;
	s0 =	simm.s32 @!p2 $0x0  }
0x16: {  	s3 =	sld [smem:$0x3FDB];
	s0 =	simm.s32 @p2 $0x1  }
0x17: {  	s4 =	simm.s32 $0x1BF5;
	[smem:$0x3FB7] =	sst s0  }
0x18: {  	s0 =	sld [smem:$0x3F9A];
	_ =	swait.ge [sflag:s4], $0x0  }
0x19: {  	s7 =	sld [smem:$0x3F9B]  }
0x1a: {  	s8 =	sadd.s32 $0xFFFFE003, lr  }
0x1b: {  	s9 =	sadd.s32 $0xFFFFFEF7, lr;
	s5 =	simm.s32 $0xFFFFFFFF;
	p2 =	slt.u32 s8, $0xFFFFF086  }
0x1c: {  	p1 =	slt.u32 s9, $0xF7A;
	s5 =	simm.s32 @!p2 $0x0  }
0x1d: {  	s5 =	simm.s32 @p1 $0x1;
	p0 =	seq.s32 s7, s2  }
0x1e: {  	s7 =	smul.u32 @!p0 $0xF7A, s2;
	p2 =	seq.s32 @!p0 s5, $0x0  }
0x1f: {  	s9 =	smul.u32 $0xF7A, s1;
	s8 =	simm.s32 @!p0 $0x1BF5;
	p2 =	por !p2, p0  }
0x20: {  	[sflag:s8] =	ssyncset.s32 @!p0 $0xFFFFF086;
	s6 =	sadd.s32 @!p0 s3, s7;
	s7 =	simm.s32 @!p0 $0x108  }
0x21: {  	s3 =	sadd.s32 s3, s9;
	s6 =	sadd.s32 @!p0 $0x88, s6;
	s7 =	simm.s32 @p2 $0x1082  }
0x22: {  	[simem:s7], [sflag:s8] =	dma.local @!p0 [hbm:s6], $0xF7A  }
0x23: {  	s9 =	sor.u32 $0xD0000000, s2;
	s6 =	simm.s32 $0x108;
	_ =	swait.ge @!p0 [sflag:s8], $0x0  }
0x24: {  	s3 =	sadd.s32 $0x88, s3;
	s6 =	simm.s32 @!p1 $0x1082;
	[sflag:s4] =	ssyncset.s32 $0xFFFFF086  }
0x25: {  	[simem:s6], [sflag:s4] =	dma.local [hbm:s3], $0xF7A  }
0x26: {  	[smem:$0x3F9B] =	sst s1;
	(tag) =	ssettag s2;
	_ =	strace s9  }
0x27: {  	s1 =	sld [smem:$0x3FAB]  }
0x28: {  	s2 =	sld [smem:$0x3FAC]  }
0x29: {  	s4 =	sld [smem:$0x3FAE]  }
0x2a: {  	p0 =	seq.s32 s5, $0x0;
	s5 =	sld [smem:$0x3FAF]  }
0x2b: {  	s6 =	sld [smem:$0x3FB0]  }
0x2c: {  	s7 =	sld [smem:$0x3FB1]  }
0x2d: {  	s3 =	simm.s32 $0x108;
	s8 =	sld [smem:$0x3FB2]  }
0x2e: {  	s3 =	simm.s32 @!p0 $0x1082;
	s9 =	sld [smem:$0x3FB3]  }
0x2f: {  	lr =	sadd.s32 s0, s3;
	s0 =	sld [smem:$0x3FAA]  }
0x30: {  	s3 =	sld [smem:$0x3FAD]  }
0x31: {  	[smem:$0x3FB6] =	sst s10  }
0x32: {  	s10 =	sld [smem:$0x3FB4];
	_ =	sdelay $0x3  }
0x33: {  	p0 =	seq.s32 s10, $0x1;
	s10 =	sld [smem:$0x3FB6];
	_ =	sdelay $0x3  }
0x34: {  	[smem:$0x3FB6] =	sst s10  }
0x35: {  	s10 =	sld [smem:$0x3FB5];
	_ =	sdelay $0x3  }
0x36: {  	p1 =	seq.s32 s10, $0x1;
	s10 =	sld [smem:$0x3FB6];
	_ =	sdelay $0x3  }
0x37: {  	[smem:$0x3FB6] =	sst s10  }
0x38: {  	s10 =	sld [smem:$0x3FB7]  }
0x39: {  	_ = 	snop;
	(pc) =	sbr.ind lr, $3  }
0x3a: {  	_ = 	snop  }
0x3b: {  	_ = 	snop  }
0x3c: {  	p2 =	seq.s32 s10, $0x1;
	s10 =	sld [smem:$0x3FB6]  }
0x3d: {  	_ =	shalt  }
0x3e: {  	_ =	shalt  }
0x3f: {  	_ =	shalt  }
0x40: {  	_ =	shalt  }
0x41: {  	_ =	shalt  }
0x42: {  	_ =	shalt  }
0x43: {  	_ =	shalt  }
0x44: {  	_ =	shalt  }
0x45: {  	_ =	shalt  }
0x46: {  	_ =	shalt  }
0x47: {  	_ =	shalt  }
0x48: {  	_ =	shalt  }
0x49: {  	_ =	shalt  }
0x4a: {  	_ =	shalt  }
0x4b: {  	_ =	shalt  }
0x4c: {  	_ =	shalt  }
0x4d: {  	_ =	shalt  }
0x4e: {  	_ =	shalt  }
0x4f: {  	_ =	shalt  }
0x50: {  	_ =	shalt  }
0x51: {  	_ =	shalt  }
0x52: {  	_ =	shalt  }
0x53: {  	_ =	shalt  }
0x54: {  	_ =	shalt  }
0x55: {  	_ =	shalt  }
0x56: {  	_ =	shalt  }
0x57: {  	_ =	shalt  }
0x58: {  	_ =	shalt  }
0x59: {  	_ =	shalt  }
0x5a: {  	_ =	shalt  }
0x5b: {  	_ =	shalt  }
0x5c: {  	_ =	shalt  }
0x5d: {  	_ =	shalt  }
0x5e: {  	_ =	shalt  }
0x5f: {  	_ =	shalt  }
0x60: {  	_ =	shalt  }
0x61: {  	_ =	shalt  }
0x62: {  	_ =	shalt  }
0x63: {  	_ =	shalt  }
0x64: {  	_ =	shalt  }
0x65: {  	_ =	shalt  }
0x66: {  	_ =	shalt  }
0x67: {  	_ =	shalt  }
0x68: {  	_ =	shalt  }
0x69: {  	_ =	shalt  }
0x6a: {  	_ =	shalt  }
0x6b: {  	_ =	shalt  }
0x6c: {  	_ =	shalt  }
0x6d: {  	_ =	shalt  }
0x6e: {  	_ =	shalt  }
0x6f: {  	_ =	shalt  }
0x70: {  	_ =	shalt  }
0x71: {  	_ =	shalt  }
0x72: {  	_ =	shalt  }
0x73: {  	_ =	shalt  }
0x74: {  	_ =	shalt  }
0x75: {  	_ =	shalt  }
0x76: {  	_ =	shalt  }
0x77: {  	_ =	shalt  }
0x78: {  	_ =	shalt  }
0x79: {  	_ =	shalt  }
0x7a: {  	_ =	shalt  }
0x7b: {  	_ =	shalt  }
0x7c: {  	_ =	shalt  }
0x7d: {  	_ =	shalt  }
0x7e: {  	_ =	shalt  }
0x7f: {  	_ =	shalt  }
0x80: {  	_ =	shalt  }
0x81: {  	_ =	shalt  }
0x82: {  	_ =	shalt  }
0x83: {  	_ =	shalt  }
0x84: {  	_ =	shalt  }
0x85: {  	_ =	shalt  }
0x86: {  	_ =	shalt  }
0x87: {  	_ =	shalt  }
.Lfunc_end0:
.L_simem_size_0:
called_computation_lowered:
.L_overlay_start_0:
0x88: {  	s2 =	sld [smem:$0x3FD9]  }
0x89: {  	s3 =	sld [smem:$0x3FFE];
	_ =	sdelay $0x1  }
0x8a: {  	s1 =	srdreg.scid  }
0x8b: {  	s0 =	sand.u32 $0x1, s1  }
0x8c: {  	s17 =	sshll.u32 s0, $0xA;
	s2 =	sadd.s32 s3, s2  }
0x8d: {  	s2 =	sadd.s32 s2, s17  }
0x8e: {  	[smem:$0x3FC2] =	sst s2  }
0x8f: {  	_ = 	snop  }
0x90: {  	s2 =	sld [smem:$0x3FC8]  }
0x91: {  	s18 =	sld [smem:$0x3FC7]  }
0x92: {  	s4 =	sld [smem:$0x3FC6]  }
0x93: {  	s5 =	sld [smem:$0x3FC5];
	(tm) =	ssettm $0x1  }
0x94: {  	s6 =	sld [smem:$0x3FFB];
	_ =	sdelay $0x3  }
0x95: {  	_ =	strace s6  }
0x96: {  	s6 =	sld [smem:$0x3FFC];
	_ =	sdelay $0x3  }
0x97: {  	_ =	strace s6  }
0x98: {  	s6 =	sld [smem:$0x3FFD];
	_ =	sdelay $0x3  }
0x99: {  	_ =	strace s6  }
0x9a: {  	_ =	strace $0x8FFFFFFF  }
0x9b: {  	s19 =	sld [smem:$0x3FDB];
	_ =	sdelay $0x1  }
0x9c: {  	s7 =	simm.s32 $_scs_section_size  }
0x9d: {  	s8 =	simm.s32 $_size__tile_overlayer_lowered;
	s9 =	simm.s32 $_tile_overlayer_lowered  }
0x9e: {  	s22 =	simm.s32 $0x1BFF;
	s21 =	sshll.u32 s9, $0x1;
	s6 =	sadd.s32 s7, s19  }
0x9f: {  	s10 =	simm.s32 $0x0;
	s20 =	sshll.u32 s8, $0x1;
	s8 =	sadd.s32 s21, s6  }
0xa0: {  	[timem:s10], [sflag:s22] =	dma.local [hbm:s8], s20  }
0xa1: {  	_ =	swait.ge [sflag:s22], s20  }
0xa2: {  	s7 =	ssub.s32 $0x0, s20;
	[sflag:s22] =	ssyncset.done $0x0  }
0xa3: {  	[sflag:s22] =	ssyncadd.s32 s7;
	_ =	sdelay $0x1  }
0xa4: {  	s23 =	simm.s32 $0x1B8B  }
0xa5: {  	_ =	swait.ge [sflag:s23], $0x1  }
0xa6: {  	[sflag:s23] =	ssyncset.done $0x0  }
0xa7: {  	s25 =	simm.s32 $0x1B8E;
	s24 =	sld [smem:$0x3FFE];
	[sflag:s23] =	ssyncadd.s32 $0xFFFFFFFF  }
0xa8: {  	s26 =	simm.s32 $execute0_lowered;
	[smem:$0x3FD2] =	sst s25  }
0xa9: {  	s8 =	sshll.u32 s26, $0x1;
	_ =	strace $0x80000046;
	[dreg:$0x1] =	wrdreg $0xFFFFFFFF  }
0xaa: {  	s28 =	simm.s32 $_size_execute0_lowered;
	s6 =	sadd.s32 s6, s8;
	[dreg:$0x0] =	wrdreg $0x0  }
0xab: {  	s8 =	sshll.u32 s28, $0x1;
	[dreg:$0x2] =	wrdreg s6  }
0xac: {  	[dreg:$0x3] =	wrdreg s8  }
0xad: {  	[dreg:$0x4] =	wrdreg $0xC0  }
0xae: {  	_ =	task [dreg:s10], $0x5FFFF  }
0xaf: {  	[dreg:$0x1] =	wrdreg $0xFFFFFFFF  }
0xb0: {  	[dreg:$0x0] =	wrdreg $0x60  }
0xb1: {  	[dreg:$0x2] =	wrdreg s18  }
0xb2: {  	[dreg:$0x3] =	wrdreg s4  }
0xb3: {  	[dreg:$0x4] =	wrdreg s2  }
0xb4: {  	[dreg:$0x5] =	wrdreg s5  }
0xb5: {  	[dreg:$0x6] =	wrdreg s24  }
0xb6: {  	[dreg:$0x7] =	wrdreg $0x9  }
0xb7: {  	_ =	task.clear_ibuf [dreg:s10], $0x8FFFF;
	_ =	strace $0x90000046  }
0xb8: {  	s29 =	simm.s32 $0x9;
	_ =	strace $0x80000048  }
0xb9: {  	_ =	swait.ge [sflag:s29], $0x1  }
0xba: {  	[sflag:s29] =	ssyncadd.s32 $0xFFFFFFFF  }
0xbb: {  	_ =	strace $0x90000048  }
0xbc: {  	_ =	sfence  }
0xbd: {  	s30 =	sld [smem:$0x0];
	_ =	sdelay $0x2  }
0xbe: {  	s31 =	sshll.u32 s1, $0xD;
	s1 =	sshrl.u32 s1, $0x2  }
0xbf: {  	s3 =	sand.u32 $0x4000, s31;
	s1 =	sadd.s32 s1, s30  }
0xc0: {  	s0 =	sor.u32 s3, s0;
	s1 =	sshll.u32 s1, $0x11  }
0xc1: {  	s0 =	sor.u32 s1, s0  }
0xc2: {  	s0 =	sadd.s32 $0x8F2B, s0  }
0xc3: {  	[sflag:s0] =	ssyncadd.remote.s32 $0x1  }
0xc4: {  	_ =	sfence.sel $0xFFFF  }
0xc5: {  	[dreg:$0x0] =	wrdreg $0xFFFFFFFF;
	(pc) =	sbr.abs _section_cstart, $3  }
0xc6: {  	[dreg:$0x1] =	wrdreg $0xFFFFFFFF  }
0xc7: {  	_ =	task.clear_ibuf [dreg:s10], $0x2FFFF;
	_ =	strace $0x9FFFFFFF  }
0xc8: {  	(tm) =	ssettm $0x7FFFFFFF  }
0xc9: {  	_ =	shalt  }
tec
execute0_lowered:
.L_overlay_start_1:
0x0: {  	(tag) =	ssettag $0x1  }
0x1: {  	s1 =	rddreg [dreg:$0x0]  }
0x2: {  	s2 =	rddreg [dreg:$0x1]  }
0x3: {  	s5 =	rddreg [dreg:$0x2]  }
0x4: {  	s7 =	rddreg [dreg:$0x3]  }
0x5: {  	s3 =	srdreg.scid;
	s0 =	stileid.u32  }
0x6: {  	s18 =	rddreg [dreg:$0x4];
	s17 =	sand.u32 $0x1, s3;
	s6 =	sshll.u32 s0, $0x1  }
0x7: {  	s4 =	simm.s32 $0x0;
	s3 =	rddreg [dreg:$0x5];
	s16 =	sor.u32 s17, s6  }
0x8: {  	[smem:$0x7FF] =	sst s4;
	s19 =	sshll.u32 s16, $0x6  }
0x9: {  	_ =	strace $0x80000047;
	s6 =	sadd.s32 s5, s19;
	s5 =	simm.s32 $0x2  }
0xa: {  	[tilespmem:s4], [sflag:$0x2] =	stream.linear.gather [hbm4b:s6+s4], $0x200, $0x38;
	[tilespmem:$0x18600] =	vst v63  }
0xb: {  	_ =	swait.ge [sflag:s5], $0x200  }
0xc: {  	s20 =	sshll.u32 s16, $0x5;
	[sflag:s5] =	ssyncset.done $0x0  }
0xd: {  	s8 =	simm.s32 $0x200;
	s7 =	sadd.s32 s7, s20;
	[sflag:s5] =	ssyncadd.s32 $0xFFFFFE00  }
0xe: {  	[tilespmem:s8], [sflag:$0x2] =	stream.linear.gather [hbm4b:s7+s4], $0x100, $0x38;
	[tilespmem:$0x18600] =	vst v63  }
0xf: {  	_ =	swait.ge [sflag:s5], $0x100  }
0x10: {  	[sflag:s5] =	ssyncset.done $0x0  }
0x11: {  	s9 =	simm.s32 $0x300;
	[sflag:s5] =	ssyncadd.s32 $0xFFFFFF00  }
0x12: {  	[tilespmem:s9], [sflag:$0x1] =	stream.indirect.gather [hbm4b:s1+s8], $0x80, s4, s8, $0xb8;
	[tilespmem:$0x18600] =	vst v63  }
0x13: {  	s10 =	simm.s32 $0x100;
	s11 =	simm.s32 $0x10300  }
0x14: {  	[tilespmem:s11], [sflag:$0x1] =	stream.indirect.gather [hbm4b:s1+s10], $0x80, s8, s10, $0xb8;
	[tilespmem:$0x18600] =	vst v63  }
0x15: {  	s12 =	simm.s32 $0x18300  }
0x16: {  	[tilespmem:s12], [sflag:$0x1] =	stream.indirect.gather [hbm4b:s2+s8], $0x1, s4, s8, $0xb8;
	[tilespmem:$0x18600] =	vst v63  }
0x17: {  	s13 =	simm.s32 $0x18500;
	s14 =	simm.s32 $0x1  }
0x18: {  	[tilespmem:s13], [sflag:$0x1] =	stream.indirect.gather [hbm4b:s2+s10], $0x1, s8, s10, $0xb8;
	[tilespmem:$0x18600] =	vst v63  }
0x19: {  	_ =	swait.ge [sflag:s14], $0x10000  }
0x1a: {  	[sflag:s14] =	ssyncset.done $0x0  }
0x1b: {  	[sflag:s14] =	ssyncadd.s32 $0xFFFF0000  }
0x1c: {  	_ =	swait.ge [sflag:s14], $0x8000  }
0x1d: {  	[sflag:s14] =	ssyncset.done $0x0  }
0x1e: {  	[sflag:s14] =	ssyncadd.s32 $0xFFFF8000  }
0x1f: {  	_ =	swait.ge [sflag:s14], $0x200  }
0x20: {  	[sflag:s14] =	ssyncset.done $0x0  }
0x21: {  	[sflag:s14] =	ssyncadd.s32 $0xFFFFFE00  }
0x22: {  	s15 =	sshll.u32 s16, $0xD;
	_ =	swait.ge [sflag:s14], $0x100  }
0x23: {  	s15 =	sadd.s32 s15, s18;
	[sflag:s14] =	ssyncset.done $0x0  }
0x24: {  	s15 =	sadd.s32 $0x22600, s15;
	[sflag:s14] =	ssyncadd.s32 $0xFFFFFF00  }
0x25: {  	[hbm4b:s15+s4] =	stream.linear.scatter [tilespmem:s9], [sflag:$0x2], $0x10000, $0x38;
	[tilespmem:$0x18600] =	vst v63  }
0x26: {  	s16 =	sshll.u32 s16, $0xC;
	_ =	swait.ge [sflag:s5], $0x10000  }
0x27: {  	s16 =	sadd.s32 s16, s18;
	[sflag:s5] =	ssyncset.done $0x0  }
0x28: {  	s21 =	ssub.s32 $0x2, s17;
	s16 =	sadd.s32 $0x2200, s16;
	[sflag:s5] =	ssyncadd.s32 $0xFFFF0000  }
0x29: {  	[hbm4b:s16+s4] =	stream.linear.scatter [tilespmem:s11], [sflag:$0x2], $0x8000, $0x38;
	[tilespmem:$0x18600] =	vst v63  }
0x2a: {  	s31 =	sshrl.u32 s21, $0x1;
	s19 =	sadd.s32 s19, s18;
	_ =	swait.ge [sflag:s5], $0x8000  }
0x2b: {  	s17 =	sadd.s32 $0x1A00, s19;
	s19 =	ssub.s32 s21, s31;
	[sflag:s5] =	ssyncset.done $0x0  }
0x2c: {  	s19 =	smax.u32 s19, $0x1;
	[sflag:s5] =	ssyncadd.s32 $0xFFFF8000  }
0x2d: {  	[hbm4b:s17+s4] =	stream.linear.scatter [tilespmem:s12], [sflag:$0x2], $0x200, $0x38;
	[tilespmem:$0x18600] =	vst v63  }
0x2e: {  	p0 =	sne.s32 s19, $0x1;
	_ =	swait.ge [sflag:s5], $0x200  }
.Ltmp0:
0x2f: {  	s18 =	sadd.s32 s20, s18;
	[sflag:s5] =	ssyncset.done $0x0;
	(pc) =	sbr.rel @!p0 .LBB2_2-.Ltmp0, $4  }
0x30: {  	s18 =	sadd.s32 $0x22200, s18;
	[sflag:s5] =	ssyncadd.s32 $0xFFFFFE00  }
0x31: {  	[hbm4b:s18+s4] =	stream.linear.scatter [tilespmem:s13], [sflag:$0x2], $0x100, $0x38;
	[tilespmem:$0x18600] =	vst v63  }
0x32: {  	_ =	swait.ge [sflag:s5], $0x100  }
0x33: {  	s19 =	sadd.s32 $0xFFFFFFFF, s19;
	[sflag:s5] =	ssyncset.done $0x0  }
.LBB2_1:
0x34: {  	p0 =	sne.s32 s19, $0x1;
	s19 =	sadd.s32 $0xFFFFFFFF, s19;
	[sflag:s5] =	ssyncadd.s32 $0xFFFFFF00  }
0x35: {  	[tilespmem:s4], [sflag:$0x2] =	stream.linear.gather [hbm4b:s6+s4], $0x200, $0x38;
	[tilespmem:$0x18600] =	vst v63  }
0x36: {  	_ =	swait.ge [sflag:s5], $0x200  }
0x37: {  	[sflag:s5] =	ssyncset.done $0x0  }
0x38: {  	[sflag:s5] =	ssyncadd.s32 $0xFFFFFE00  }
0x39: {  	[tilespmem:s8], [sflag:$0x2] =	stream.linear.gather [hbm4b:s7+s4], $0x100, $0x38;
	[tilespmem:$0x18600] =	vst v63  }
0x3a: {  	_ =	swait.ge [sflag:s5], $0x100  }
0x3b: {  	[sflag:s5] =	ssyncset.done $0x0  }
0x3c: {  	[sflag:s5] =	ssyncadd.s32 $0xFFFFFF00  }
0x3d: {  	[tilespmem:s9], [sflag:$0x1] =	stream.indirect.gather [hbm4b:s1+s8], $0x80, s4, s8, $0xb8;
	[tilespmem:$0x18600] =	vst v63  }
0x3e: {  	_ = 	snop  }
0x3f: {  	[tilespmem:s11], [sflag:$0x1] =	stream.indirect.gather [hbm4b:s1+s10], $0x80, s8, s10, $0xb8;
	[tilespmem:$0x18600] =	vst v63  }
0x40: {  	_ = 	snop  }
0x41: {  	[tilespmem:s12], [sflag:$0x1] =	stream.indirect.gather [hbm4b:s2+s8], $0x1, s4, s8, $0xb8;
	[tilespmem:$0x18600] =	vst v63  }
0x42: {  	_ = 	snop  }
0x43: {  	[tilespmem:s13], [sflag:$0x1] =	stream.indirect.gather [hbm4b:s2+s10], $0x1, s8, s10, $0xb8;
	[tilespmem:$0x18600] =	vst v63  }
0x44: {  	_ =	swait.ge [sflag:s14], $0x10000  }
0x45: {  	[sflag:s14] =	ssyncset.done $0x0  }
0x46: {  	[sflag:s14] =	ssyncadd.s32 $0xFFFF0000  }
0x47: {  	_ =	swait.ge [sflag:s14], $0x8000  }
0x48: {  	[sflag:s14] =	ssyncset.done $0x0  }
0x49: {  	[sflag:s14] =	ssyncadd.s32 $0xFFFF8000  }
0x4a: {  	_ =	swait.ge [sflag:s14], $0x200  }
0x4b: {  	[sflag:s14] =	ssyncset.done $0x0  }
0x4c: {  	[sflag:s14] =	ssyncadd.s32 $0xFFFFFE00  }
0x4d: {  	_ =	swait.ge [sflag:s14], $0x100  }
0x4e: {  	[sflag:s14] =	ssyncset.done $0x0  }
0x4f: {  	[sflag:s14] =	ssyncadd.s32 $0xFFFFFF00  }
0x50: {  	[hbm4b:s15+s4] =	stream.linear.scatter [tilespmem:s9], [sflag:$0x2], $0x10000, $0x38;
	[tilespmem:$0x18600] =	vst v63  }
0x51: {  	_ =	swait.ge [sflag:s5], $0x10000  }
0x52: {  	[sflag:s5] =	ssyncset.done $0x0  }
0x53: {  	[sflag:s5] =	ssyncadd.s32 $0xFFFF0000  }
0x54: {  	[hbm4b:s16+s4] =	stream.linear.scatter [tilespmem:s11], [sflag:$0x2], $0x8000, $0x38;
	[tilespmem:$0x18600] =	vst v63  }
0x55: {  	_ =	swait.ge [sflag:s5], $0x8000  }
0x56: {  	[sflag:s5] =	ssyncset.done $0x0  }
0x57: {  	[sflag:s5] =	ssyncadd.s32 $0xFFFF8000  }
0x58: {  	[hbm4b:s17+s4] =	stream.linear.scatter [tilespmem:s12], [sflag:$0x2], $0x200, $0x38;
	[tilespmem:$0x18600] =	vst v63  }
0x59: {  	_ =	swait.ge [sflag:s5], $0x200  }
.Ltmp1:
0x5a: {  	[sflag:s5] =	ssyncset.done $0x0;
	(pc) =	sbr.rel @p0 .LBB2_1-.Ltmp1, $4  }
0x5b: {  	[sflag:s5] =	ssyncadd.s32 $0xFFFFFE00  }
0x5c: {  	[hbm4b:s18+s4] =	stream.linear.scatter [tilespmem:s13], [sflag:$0x2], $0x100, $0x38;
	[tilespmem:$0x18600] =	vst v63  }
0x5d: {  	_ =	swait.ge [sflag:s5], $0x100  }
0x5e: {  	[sflag:s5] =	ssyncset.done $0x0  }
.LBB2_2:
0x5f: {  	[sflag:s5] =	ssyncadd.s32 $0xFFFFFF00  }
0x60: {  	_ =	sfence.sel $0x180000  }
0x61: {  	[bflag:$0x0] =	sbarrier.arrive $0xFFFF  }
0x62: {  	p0 =	sne.s32 s0, $0x0;
	_ =	strace $0x90000047  }
0x63: {  	s0 =	sadd.s32 @!p0 $0x100000, s3;
	[bflag:$0x2] =	sbarrier.arrive $0xFFFF  }
0x64: {  	[sflag:s0] =	ssyncadd.tile.s32 @!p0 $0x1;
	_ =	shalt  }
.Lfunc_end2:
_tile_overlayer_lowered:
.L_overlay_start_2:
0x65: {  	(tag) =	ssettag $0x2  }
0x66: {  	s0 =	rddreg [dreg:$0x0];
	s2 =	stileid.u32  }
0x67: {  	s1 =	rddreg [dreg:$0x1];
	p0 =	sne.s32 s2, $0x0  }
0x68: {  	s3 =	rddreg [dreg:$0x2];
	[bflag:$0x3] =	sbarrier.arrive $0xFFFF;
	s2 =	simm.s32 @!p0 $0x1C02  }
0x69: {  	[timem:s3], [sflag:s2] =	dma.local @!p0 [hbm:s0], s1  }
0x6a: {  	s0 =	simm.s32 @!p0 $0x2  }
0x6b: {  	_ =	swait.ge @!p0 [sflag:s0], s1  }
0x6c: {  	s1 =	ssub.s32 @!p0 $0x0, s1;
	[sflag:s0] =	ssyncset.done @!p0 $0x0  }
0x6d: {  	[sflag:s0] =	ssyncadd.s32 @!p0 s1  }
0x6e: {  	[bflag:$0x3] =	sbarrier.arrive $0xFFFF  }
0x6f: {  	_ =	shalt  }

</sc_bundles>
